<compile_context>
chip_gen: v7x
topology: tpu7x:2x2x1
jax: 0.10.2.dev20260603
libtpu: 0.0.44.dev20260713+nightly
codegen_flags: <defaults>
</compile_context>

<pallas_src>
import functools

import jax
import jax.numpy as jnp
import numpy as np
from jax import lax
from jax.experimental import pallas as pl
from jax.experimental.pallas import tpu as pltpu
from jax.experimental.pallas import tpu_sc as plsc

_N_ATTR = 26
_LOG = 5
_BASE = 10
_OUT_COLS = _N_ATTR * _LOG

_SC_ROWS = 2048
_NW = 32
_NC = 2
_SC_N = _SC_ROWS * _N_ATTR
_CHUNK = _SC_N // _NW

_mesh = plsc.VectorSubcoreMesh(core_axis_name="c", subcore_axis_name="s")


@functools.partial(
    pl.kernel,
    out_type=jax.ShapeDtypeStruct((_SC_N * _LOG,), jnp.int32),
    mesh=_mesh,
    scratch_types=[
        pltpu.VMEM((_CHUNK,), jnp.int32),
        pltpu.VMEM((_CHUNK * _LOG,), jnp.int32),
    ],
    compiler_params=pltpu.CompilerParams(needs_layout_passes=False),
)
def _sc_digits(x_hbm, out_hbm, xin, outbuf):
    wid = lax.axis_index("s") * _NC + lax.axis_index("c")
    base = wid * _CHUNK
    pltpu.sync_copy(x_hbm.at[pl.ds(base, _CHUNK)], xin)
    lane5 = lax.iota(jnp.int32, 16) * 5

    @plsc.parallel_loop(0, _CHUNK // 16, 1, unroll=8)
    def body(i):
        xv = xin[pl.ds(i * 16, 16)]
        xf = xv.astype(jnp.float32) + jnp.float32(0.5)
        q1 = (xf * jnp.float32(1e-1)).astype(jnp.int32)
        q2 = (xf * jnp.float32(1e-2)).astype(jnp.int32)
        q3 = (xf * jnp.float32(1e-3)).astype(jnp.int32)
        q4 = (xf * jnp.float32(1e-4)).astype(jnp.int32)
        ob = lane5 + i * 80
        plsc.store_scatter(outbuf, [ob], xv - 10 * q1 + 1)
        plsc.store_scatter(outbuf, [ob + 1], q1 - 10 * q2 + 1)
        plsc.store_scatter(outbuf, [ob + 2], q2 - 10 * q3 + 1)
        plsc.store_scatter(outbuf, [ob + 3], q3 - 10 * q4 + 1)
        plsc.store_scatter(outbuf, [ob + 4], q4 + 1)

    pltpu.sync_copy(outbuf, out_hbm.at[pl.ds(base * _LOG, _CHUNK * _LOG)])


def _perm() -> jnp.ndarray:
    p = np.zeros((_OUT_COLS, _OUT_COLS), dtype=np.float32)
    for k in range(_LOG):
        for j in range(_N_ATTR):
            p[k * _N_ATTR + j, j * _LOG + k] = 1.0
    return jnp.asarray(p, dtype=jnp.bfloat16)


def _recips():
    ka = np.repeat(np.arange(_LOG), _N_ATTR)
    ra = (1.0 / np.power(10.0, ka)).astype(np.float32)
    rb = (1.0 / np.power(10.0, ka + 1)).astype(np.float32)
    return jnp.asarray(ra.reshape(1, -1)), jnp.asarray(rb.reshape(1, -1))


def _digits_body(x_ref, ra_ref, rb_ref, p_ref, sc_ref, out_ref):
    i = pl.program_id(0)
    last = pl.num_programs(0) - 1

    @pl.when(i < last)
    def _compute():
        xf = x_ref[...].astype(jnp.float32)
        xt = pltpu.repeat(xf, _LOG, axis=1)
        xh = xt + jnp.float32(0.5)
        qa = jnp.floor(xh * ra_ref[...])
        qb = jnp.floor(xh * rb_ref[...])
        g = qa - jnp.float32(_BASE) * qb
        acc = jnp.dot(g.astype(jnp.bfloat16), p_ref[...],
                      preferred_element_type=jnp.float32)
        out_ref[...] = (acc + jnp.float32(1.0)).astype(jnp.int32)

    @pl.when(i == last)
    def _merge_sc():
        out_ref[...] = sc_ref[...]


def kernel(x, mapping):
    del mapping
    batch = x.shape[0]
    tc_rows = batch - _SC_ROWS
    emb_sc = _sc_digits(x[tc_rows:].reshape(-1)).reshape(_SC_ROWS, _OUT_COLS)
    bs = 2048
    ra, rb = _recips()
    emb = pl.pallas_call(
        _digits_body,
        grid=(batch // bs,),
        in_specs=[
            pl.BlockSpec((bs, _N_ATTR), lambda i: (i, 0)),
            pl.BlockSpec((1, _OUT_COLS), lambda i: (0, 0)),
            pl.BlockSpec((1, _OUT_COLS), lambda i: (0, 0)),
            pl.BlockSpec((_OUT_COLS, _OUT_COLS), lambda i: (0, 0)),
            pl.BlockSpec((_SC_ROWS, _OUT_COLS), lambda i: (0, 0)),
        ],
        out_specs=pl.BlockSpec((bs, _OUT_COLS), lambda i: (i, 0)),
        out_shape=jax.ShapeDtypeStruct((batch, _OUT_COLS), jnp.int32),
    )(x, ra, rb, _perm(), emb_sc)
    zeros = jnp.zeros((batch, _OUT_COLS), dtype=jnp.float32)
    return (emb, zeros, zeros)

# --- scband reference (transcript-rebuilt; emitter-appended) ---
"""Pipeline reference for scband-arithmetic-sender-19731079758006 (READ-ONLY COPY).

The authoritative reference and input builder live on the scoring server;
editing this copy changes nothing except your own understanding.
"""

import jax, jax.numpy as jnp
import numpy as np

N_ATTRIBUTES = 26
N_VALUES = 100000
BASE = 10
LOG = 5  # smallest log such that BASE**LOG >= N_VALUES


def _build_mapping():
    # Faithful reproduction of the digit-decomposition embedding table:
    # mapping[i, k] = (i // BASE**k) % BASE
    vals = np.arange(N_VALUES, dtype=np.int64)
    cols = [((vals // (BASE ** k)) % BASE).astype(np.float32) for k in range(LOG)]
    mapping = np.stack(cols, axis=1)
    assert (mapping < BASE).all()
    return jnp.asarray(mapping)


def setup_inputs(seed: int = 0) -> dict:
    key = jax.random.key(seed)
    x = jax.random.randint(key, (16384, N_ATTRIBUTES), 0, N_VALUES, dtype=jnp.int32)
    mapping = _build_mapping()
    return {"x": x, "mapping": mapping}


def reference(x, mapping):
    batch_size = x.shape[0]
    flat = x.reshape(batch_size * N_ATTRIBUTES)
    # torch.no_grad() around the embedding lookup -> stop_gradient
    emb = jax.lax.stop_gradient(jnp.take(mapping, flat, axis=0))
    emb = emb.reshape(batch_size, -1).astype(jnp.int32)  # .long() cast (int32 for default jax config)
    zeros = jnp.zeros((emb.shape[0], emb.shape[1]), dtype=jnp.float32)
    return (emb + 1, zeros, zeros)

if __name__ == "__main__":
    import jax
    _d = setup_inputs()
    print(jax.jit(kernel)(*tuple(_d.values())))

</pallas_src>

<mosaic_0001>
#map = affine_map<(d0, d1) -> (0)>
module attributes {stable_mosaic.version = 14 : i64} {
  func.func @_sc_digits(%arg0: i32, %arg1: i32, %arg2: memref<53248xi32, #tpu.memory_space<hbm>>, %arg3: memref<266240xi32, #tpu.memory_space<hbm>>, %arg4: memref<1664xi32, #tpu.memory_space<vmem>>, %arg5: memref<8320xi32, #tpu.memory_space<vmem>>) attributes {dimension_semantics = [#tpu.dimension_semantics<core_parallel>, #tpu.dimension_semantics<subcore_parallel>], iteration_bounds = array<i64: 2, 16>, scalar_prefetch = 0 : i64, scratch_operands = 2 : i64, tpu.core_type = #tpu.core_type<sc_vector_subcore>, window_params = [{transform_indices = #map}, {transform_indices = #map}]} {
    %mul3A = arith.constant 2 : i32
    %mul3A_0 = arith.muli %arg1, %mul3A : i32
    %add3A = arith.addi %mul3A_0, %arg0 : i32
    %mul3A_1 = arith.constant 1664 : i32
    %mul3A_2 = arith.muli %add3A, %mul3A_1 : i32
    "tpu.region"() ({
      %run_scoped3A = tpu.sem_alloc : memref<!tpu.dma_semaphore, #tpu.memory_space<semaphore_mem>>
      %dma_start3A = tpu.memref_slice %arg2[%mul3A_2] : memref<53248xi32, #tpu.memory_space<hbm>> -> memref<1664xi32, #tpu.memory_space<hbm>>
      %dma_start3A_10 = tpu.memref_slice %arg2[%mul3A_2] : memref<53248xi32, #tpu.memory_space<hbm>> -> memref<1664xi32, #tpu.memory_space<hbm>>
      tpu.enqueue_dma source(%dma_start3A_10 : memref<1664xi32, #tpu.memory_space<hbm>>) target(%arg4 : memref<1664xi32, #tpu.memory_space<vmem>>) target_semaphore(%run_scoped3A : memref<!tpu.dma_semaphore, #tpu.memory_space<semaphore_mem>>)
      %dma_wait3A = tpu.memref_slice %arg2[%mul3A_2] : memref<53248xi32, #tpu.memory_space<hbm>> -> memref<1664xi32, #tpu.memory_space<hbm>>
      %dma_wait3A_11 = tpu.memref_slice %arg2[%mul3A_2] : memref<53248xi32, #tpu.memory_space<hbm>> -> memref<1664xi32, #tpu.memory_space<hbm>>
      tpu.wait_dma2 semaphore(%run_scoped3A : memref<!tpu.dma_semaphore, #tpu.memory_space<semaphore_mem>>) src(%dma_wait3A_11 : memref<1664xi32, #tpu.memory_space<hbm>>) dst(%arg4 : memref<1664xi32, #tpu.memory_space<vmem>>)
      tpu.yield
    }) : () -> ()
    %iota3A = tpu.iota {dimensions = array<i32: 0>} : vector<16xi32>
    %mul3A_3 = arith.constant 5 : i32
    %mul3A_4 = vector.broadcast %mul3A_3 : i32 to vector<16xi32>
    %mul3A_5 = arith.muli %iota3A, %mul3A_4 : vector<16xi32>
    %parallel_loop3A = arith.constant 0 : i32
    %parallel_loop3A_6 = arith.constant 104 : i32
    %parallel_loop3A_7 = arith.constant 1 : i32
    scf.for %parallel_loop3A_10 = %parallel_loop3A to %parallel_loop3A_6 step %parallel_loop3A_7  : i32 {
      %parallel_loop3A_11 = arith.constant 16 : i32
      %parallel_loop3A_12 = arith.muli %parallel_loop3A_10, %parallel_loop3A_11 : i32
      %parallel_loop3A_13 = arith.index_cast %parallel_loop3A_12 : i32 to index
      %parallel_loop3A_14 = tpu.vector_load %arg4[%parallel_loop3A_13] {strides = array<i32>} : memref<1664xi32, #tpu.memory_space<vmem>>, vector<16xi32>,
      %parallel_loop3A_15 = arith.sitofp %parallel_loop3A_14 : vector<16xi32> to vector<16xf32>
      %parallel_loop3A_16 = arith.constant 5.000000e-01 : f32
      %parallel_loop3A_17 = vector.broadcast %parallel_loop3A_16 : f32 to vector<16xf32>
      %parallel_loop3A_18 = arith.addf %parallel_loop3A_15, %parallel_loop3A_17 : vector<16xf32>
      %parallel_loop3A_19 = arith.constant 1.000000e-01 : f32
      %parallel_loop3A_20 = vector.broadcast %parallel_loop3A_19 : f32 to vector<16xf32>
      %parallel_loop3A_21 = arith.mulf %parallel_loop3A_18, %parallel_loop3A_20 : vector<16xf32>
      %parallel_loop3A_22 = arith.fptosi %parallel_loop3A_21 : vector<16xf32> to vector<16xi32>
      %parallel_loop3A_23 = arith.constant 0.00999999977 : f32
      %parallel_loop3A_24 = vector.broadcast %parallel_loop3A_23 : f32 to vector<16xf32>
      %parallel_loop3A_25 = arith.mulf %parallel_loop3A_18, %parallel_loop3A_24 : vector<16xf32>
      %parallel_loop3A_26 = arith.fptosi %parallel_loop3A_25 : vector<16xf32> to vector<16xi32>
      %parallel_loop3A_27 = arith.constant 1.000000e-03 : f32
      %parallel_loop3A_28 = vector.broadcast %parallel_loop3A_27 : f32 to vector<16xf32>
      %parallel_loop3A_29 = arith.mulf %parallel_loop3A_18, %parallel_loop3A_28 : vector<16xf32>
      %parallel_loop3A_30 = arith.fptosi %parallel_loop3A_29 : vector<16xf32> to vector<16xi32>
      %parallel_loop3A_31 = arith.constant 9.99999974E-5 : f32
      %parallel_loop3A_32 = vector.broadcast %parallel_loop3A_31 : f32 to vector<16xf32>
      %parallel_loop3A_33 = arith.mulf %parallel_loop3A_18, %parallel_loop3A_32 : vector<16xf32>
      %parallel_loop3A_34 = arith.fptosi %parallel_loop3A_33 : vector<16xf32> to vector<16xi32>
      %parallel_loop3A_35 = arith.constant 80 : i32
      %parallel_loop3A_36 = arith.muli %parallel_loop3A_10, %parallel_loop3A_35 : i32
      %parallel_loop3A_37 = vector.broadcast %parallel_loop3A_36 : i32 to vector<16xi32>
      %parallel_loop3A_38 = arith.addi %mul3A_5, %parallel_loop3A_37 : vector<16xi32>
      %parallel_loop3A_39 = arith.constant 10 : i32
      %parallel_loop3A_40 = vector.broadcast %parallel_loop3A_39 : i32 to vector<16xi32>
      %parallel_loop3A_41 = arith.muli %parallel_loop3A_40, %parallel_loop3A_22 : vector<16xi32>
      %parallel_loop3A_42 = arith.subi %parallel_loop3A_14, %parallel_loop3A_41 : vector<16xi32>
      %parallel_loop3A_43 = arith.constant 1 : i32
      %parallel_loop3A_44 = vector.broadcast %parallel_loop3A_43 : i32 to vector<16xi32>
      %parallel_loop3A_45 = arith.addi %parallel_loop3A_42, %parallel_loop3A_44 : vector<16xi32>
      tpu.vector_store_idx %arg5[%parallel_loop3A_38], %parallel_loop3A_45 : memref<8320xi32, #tpu.memory_space<vmem>>[vector<16xi32>], vector<16xi32>,
      %parallel_loop3A_46 = arith.constant 1 : i32
      %parallel_loop3A_47 = vector.broadcast %parallel_loop3A_46 : i32 to vector<16xi32>
      %parallel_loop3A_48 = arith.addi %parallel_loop3A_38, %parallel_loop3A_47 : vector<16xi32>
      %parallel_loop3A_49 = arith.constant 10 : i32
      %parallel_loop3A_50 = vector.broadcast %parallel_loop3A_49 : i32 to vector<16xi32>
      %parallel_loop3A_51 = arith.muli %parallel_loop3A_50, %parallel_loop3A_26 : vector<16xi32>
      %parallel_loop3A_52 = arith.subi %parallel_loop3A_22, %parallel_loop3A_51 : vector<16xi32>
      %parallel_loop3A_53 = arith.constant 1 : i32
      %parallel_loop3A_54 = vector.broadcast %parallel_loop3A_53 : i32 to vector<16xi32>
      %parallel_loop3A_55 = arith.addi %parallel_loop3A_52, %parallel_loop3A_54 : vector<16xi32>
      tpu.vector_store_idx %arg5[%parallel_loop3A_48], %parallel_loop3A_55 : memref<8320xi32, #tpu.memory_space<vmem>>[vector<16xi32>], vector<16xi32>,
      %parallel_loop3A_56 = arith.constant 2 : i32
      %parallel_loop3A_57 = vector.broadcast %parallel_loop3A_56 : i32 to vector<16xi32>
      %parallel_loop3A_58 = arith.addi %parallel_loop3A_38, %parallel_loop3A_57 : vector<16xi32>
      %parallel_loop3A_59 = arith.constant 10 : i32
      %parallel_loop3A_60 = vector.broadcast %parallel_loop3A_59 : i32 to vector<16xi32>
      %parallel_loop3A_61 = arith.muli %parallel_loop3A_60, %parallel_loop3A_30 : vector<16xi32>
      %parallel_loop3A_62 = arith.subi %parallel_loop3A_26, %parallel_loop3A_61 : vector<16xi32>
      %parallel_loop3A_63 = arith.constant 1 : i32
      %parallel_loop3A_64 = vector.broadcast %parallel_loop3A_63 : i32 to vector<16xi32>
      %parallel_loop3A_65 = arith.addi %parallel_loop3A_62, %parallel_loop3A_64 : vector<16xi32>
      tpu.vector_store_idx %arg5[%parallel_loop3A_58], %parallel_loop3A_65 : memref<8320xi32, #tpu.memory_space<vmem>>[vector<16xi32>], vector<16xi32>,
      %parallel_loop3A_66 = arith.constant 3 : i32
      %parallel_loop3A_67 = vector.broadcast %parallel_loop3A_66 : i32 to vector<16xi32>
      %parallel_loop3A_68 = arith.addi %parallel_loop3A_38, %parallel_loop3A_67 : vector<16xi32>
      %parallel_loop3A_69 = arith.constant 10 : i32
      %parallel_loop3A_70 = vector.broadcast %parallel_loop3A_69 : i32 to vector<16xi32>
      %parallel_loop3A_71 = arith.muli %parallel_loop3A_70, %parallel_loop3A_34 : vector<16xi32>
      %parallel_loop3A_72 = arith.subi %parallel_loop3A_30, %parallel_loop3A_71 : vector<16xi32>
      %parallel_loop3A_73 = arith.constant 1 : i32
      %parallel_loop3A_74 = vector.broadcast %parallel_loop3A_73 : i32 to vector<16xi32>
      %parallel_loop3A_75 = arith.addi %parallel_loop3A_72, %parallel_loop3A_74 : vector<16xi32>
      tpu.vector_store_idx %arg5[%parallel_loop3A_68], %parallel_loop3A_75 : memref<8320xi32, #tpu.memory_space<vmem>>[vector<16xi32>], vector<16xi32>,
      %parallel_loop3A_76 = arith.constant 4 : i32
      %parallel_loop3A_77 = vector.broadcast %parallel_loop3A_76 : i32 to vector<16xi32>
      %parallel_loop3A_78 = arith.addi %parallel_loop3A_38, %parallel_loop3A_77 : vector<16xi32>
      %parallel_loop3A_79 = arith.constant 1 : i32
      %parallel_loop3A_80 = vector.broadcast %parallel_loop3A_79 : i32 to vector<16xi32>
      %parallel_loop3A_81 = arith.addi %parallel_loop3A_34, %parallel_loop3A_80 : vector<16xi32>
      tpu.vector_store_idx %arg5[%parallel_loop3A_78], %parallel_loop3A_81 : memref<8320xi32, #tpu.memory_space<vmem>>[vector<16xi32>], vector<16xi32>,
    } {sc.loop_unroll_factor = 8 : i64, sc.parallel_access}
    %mul3A_8 = arith.constant 5 : i32
    %mul3A_9 = arith.muli %mul3A_2, %mul3A_8 : i32
    "tpu.region"() ({
      %run_scoped3A = tpu.sem_alloc : memref<!tpu.dma_semaphore, #tpu.memory_space<semaphore_mem>>
      %dma_start3A = tpu.memref_slice %arg3[%mul3A_9] : memref<266240xi32, #tpu.memory_space<hbm>> -> memref<8320xi32, #tpu.memory_space<hbm>>
      %dma_start3A_10 = tpu.memref_slice %arg3[%mul3A_9] : memref<266240xi32, #tpu.memory_space<hbm>> -> memref<8320xi32, #tpu.memory_space<hbm>>
      tpu.enqueue_dma source(%arg5 : memref<8320xi32, #tpu.memory_space<vmem>>) target(%dma_start3A_10 : memref<8320xi32, #tpu.memory_space<hbm>>) target_semaphore(%run_scoped3A : memref<!tpu.dma_semaphore, #tpu.memory_space<semaphore_mem>>)
      %dma_wait3A = tpu.memref_slice %arg3[%mul3A_9] : memref<266240xi32, #tpu.memory_space<hbm>> -> memref<8320xi32, #tpu.memory_space<hbm>>
      %dma_wait3A_11 = tpu.memref_slice %arg3[%mul3A_9] : memref<266240xi32, #tpu.memory_space<hbm>> -> memref<8320xi32, #tpu.memory_space<hbm>>
      tpu.wait_dma2 semaphore(%run_scoped3A : memref<!tpu.dma_semaphore, #tpu.memory_space<semaphore_mem>>) src(%arg5 : memref<8320xi32, #tpu.memory_space<vmem>>) dst(%dma_wait3A_11 : memref<8320xi32, #tpu.memory_space<hbm>>)
      tpu.yield
    }) : () -> ()
    return
  }
}

module attributes {stable_mosaic.version = 14 : i64} {
  func.func @_digits_body(%arg0: i32, %arg1: memref<2048x26xi32, #tpu.memory_space<vmem>>, %arg2: memref<1x130xf32, #tpu.memory_space<vmem>>, %arg3: memref<1x130xf32, #tpu.memory_space<vmem>>, %arg4: memref<130x130xbf16, #tpu.memory_space<vmem>>, %arg5: memref<2048x130xi32, #tpu.memory_space<vmem>>, %arg6: memref<2048x130xi32, #tpu.memory_space<vmem>>) attributes {dimension_semantics = [#tpu.dimension_semantics<arbitrary>], iteration_bounds = array<i64: 8>, scalar_prefetch = 0 : i64, scratch_operands = 0 : i64, tpu.core_type = #tpu.core_type<tc>, window_params = [{transform_indices = @transform_0, window_bounds = array<i64: 2048, 26>}, {pipeline_mode = #tpu.pipeline_mode<synchronous>, transform_indices = @transform_1, window_bounds = array<i64: 1, 130>}, {pipeline_mode = #tpu.pipeline_mode<synchronous>, transform_indices = @transform_2, window_bounds = array<i64: 1, 130>}, {pipeline_mode = #tpu.pipeline_mode<synchronous>, transform_indices = @transform_3, window_bounds = array<i64: 130, 130>}, {pipeline_mode = #tpu.pipeline_mode<synchronous>, transform_indices = @transform_4, window_bounds = array<i64: 2048, 130>}, {transform_indices = @transform_5, window_bounds = array<i64: 2048, 130>}]} {
    %lt3A = arith.constant 7 : i32
    %lt3A_0 = arith.cmpi slt, %arg0, %lt3A : i32
    %convert_element_type3A = arith.extui %lt3A_0 : i1 to i32
    %cond3A = arith.constant 0 : i32
    %cond3A_1 = arith.cmpi ne, %convert_element_type3A, %cond3A : i32
    scf.if %cond3A_1 {
      %get3A = arith.constant 0 : index
      %get3A_6 = arith.constant 0 : index
      %get3A_7 = vector.load %arg1[%get3A, %get3A_6] : memref<2048x26xi32, #tpu.memory_space<vmem>>, vector<2048x26xi32>
      %convert_element_type3A_8 = arith.sitofp %get3A_7 : vector<2048x26xi32> to vector<2048x26xf32>
      %tile3A = tpu.concatenate %convert_element_type3A_8, %convert_element_type3A_8, %convert_element_type3A_8, %convert_element_type3A_8, %convert_element_type3A_8 in 1 : vector<2048x26xf32>, vector<2048x26xf32>, vector<2048x26xf32>, vector<2048x26xf32>, vector<2048x26xf32> -> vector<2048x130xf32>
      %add3A = arith.constant 5.000000e-01 : f32
      %add3A_9 = vector.broadcast %add3A : f32 to vector<2048x130xf32>
      %add3A_10 = arith.addf %tile3A, %add3A_9 : vector<2048x130xf32>
      %get3A_11 = arith.constant 0 : index
      %get3A_12 = arith.constant 0 : index
      %get3A_13 = vector.load %arg2[%get3A_11, %get3A_12] : memref<1x130xf32, #tpu.memory_space<vmem>>, vector<1x130xf32>
      %mul3A = vector.broadcast %get3A_13 : vector<1x130xf32> to vector<2048x130xf32>
      %mul3A_14 = arith.mulf %add3A_10, %mul3A : vector<2048x130xf32>
      %floor3A = math.floor %mul3A_14 : vector<2048x130xf32>
      %get3A_15 = arith.constant 0 : index
      %get3A_16 = arith.constant 0 : index
      %get3A_17 = vector.load %arg3[%get3A_15, %get3A_16] : memref<1x130xf32, #tpu.memory_space<vmem>>, vector<1x130xf32>
      %mul3A_18 = vector.broadcast %get3A_17 : vector<1x130xf32> to vector<2048x130xf32>
      %mul3A_19 = arith.mulf %add3A_10, %mul3A_18 : vector<2048x130xf32>
      %floor3A_20 = math.floor %mul3A_19 : vector<2048x130xf32>
      %mul3A_21 = arith.constant 1.000000e+01 : f32
      %mul3A_22 = vector.broadcast %mul3A_21 : f32 to vector<2048x130xf32>
      %mul3A_23 = arith.mulf %mul3A_22, %floor3A_20 : vector<2048x130xf32>
      %sub3A = arith.subf %floor3A, %mul3A_23 : vector<2048x130xf32>
      %convert_element_type3A_24 = arith.truncf %sub3A : vector<2048x130xf32> to vector<2048x130xbf16>
      %get3A_25 = arith.constant 0 : index
      %get3A_26 = arith.constant 0 : index
      %get3A_27 = vector.load %arg4[%get3A_25, %get3A_26] : memref<130x130xbf16, #tpu.memory_space<vmem>>, vector<130x130xbf16>
      %dot_general3A = arith.constant dense<0.000000e+00> : vector<2048x130xf32>
      %dot_general3A_28 = tpu.matmul %convert_element_type3A_24, %get3A_27, %dot_general3A {dimension_numbers = #tpu.dot_dimension_numbers<[1], [0], [0], [1], [0, 0, 1, 1], [], []>, transpose_lhs_hint = false} : vector<2048x130xbf16>, vector<130x130xbf16>, vector<2048x130xf32> -> vector<2048x130xf32>
      %add3A_29 = arith.constant 1.000000e+00 : f32
      %add3A_30 = vector.broadcast %add3A_29 : f32 to vector<2048x130xf32>
      %add3A_31 = arith.addf %dot_general3A_28, %add3A_30 : vector<2048x130xf32>
      %convert_element_type3A_32 = arith.fptosi %add3A_31 : vector<2048x130xf32> to vector<2048x130xi32>
      %swap3A = arith.constant 0 : index
      %swap3A_33 = arith.constant 0 : index
      %swap3A_34 = vector.load %arg6[%swap3A, %swap3A_33] : memref<2048x130xi32, #tpu.memory_space<vmem>>, vector<2048x130xi32>
      tpu.vector_store %arg6[%swap3A, %swap3A_33], %convert_element_type3A_32 {strides = array<i32>} : memref<2048x130xi32, #tpu.memory_space<vmem>>, vector<2048x130xi32>,
    } else {
    }
    %eq3A = arith.constant 7 : i32
    %eq3A_2 = arith.cmpi eq, %arg0, %eq3A : i32
    %convert_element_type3A_3 = arith.extui %eq3A_2 : i1 to i32
    %cond3A_4 = arith.constant 0 : i32
    %cond3A_5 = arith.cmpi ne, %convert_element_type3A_3, %cond3A_4 : i32
    scf.if %cond3A_5 {
      %get3A = arith.constant 0 : index
      %get3A_6 = arith.constant 0 : index
      %get3A_7 = vector.load %arg5[%get3A, %get3A_6] : memref<2048x130xi32, #tpu.memory_space<vmem>>, vector<2048x130xi32>
      %swap3A = arith.constant 0 : index
      %swap3A_8 = arith.constant 0 : index
      %swap3A_9 = vector.load %arg6[%swap3A, %swap3A_8] : memref<2048x130xi32, #tpu.memory_space<vmem>>, vector<2048x130xi32>
      tpu.vector_store %arg6[%swap3A, %swap3A_8], %get3A_7 {strides = array<i32>} : memref<2048x130xi32, #tpu.memory_space<vmem>>, vector<2048x130xi32>,
    } else {
    }
    return
  }
  func.func @transform_0(%arg0: i32) -> (i32, i32) {
    %c0_i32 = arith.constant 0 : i32
    %c0_i32_0 = arith.constant 0 : i32
    return %arg0, %c0_i32 : i32, i32
  }
  func.func @transform_1(%arg0: i32) -> (i32, i32) {
    %c0_i32 = arith.constant 0 : i32
    %c0_i32_0 = arith.constant 0 : i32
    %c0_i32_1 = arith.constant 0 : i32
    return %c0_i32, %c0_i32_0 : i32, i32
  }
  func.func @transform_2(%arg0: i32) -> (i32, i32) {
    %c0_i32 = arith.constant 0 : i32
    %c0_i32_0 = arith.constant 0 : i32
    %c0_i32_1 = arith.constant 0 : i32
    return %c0_i32, %c0_i32_0 : i32, i32
  }
  func.func @transform_3(%arg0: i32) -> (i32, i32) {
    %c0_i32 = arith.constant 0 : i32
    %c0_i32_0 = arith.constant 0 : i32
    %c0_i32_1 = arith.constant 0 : i32
    return %c0_i32, %c0_i32_0 : i32, i32
  }
  func.func @transform_4(%arg0: i32) -> (i32, i32) {
    %c0_i32 = arith.constant 0 : i32
    %c0_i32_0 = arith.constant 0 : i32
    %c0_i32_1 = arith.constant 0 : i32
    return %c0_i32, %c0_i32_0 : i32, i32
  }
  func.func @transform_5(%arg0: i32) -> (i32, i32) {
    %c0_i32 = arith.constant 0 : i32
    %c0_i32_0 = arith.constant 0 : i32
    return %arg0, %c0_i32 : i32, i32
  }
}

</mosaic_0001>

<sc_bundles>
// kernel: kernel.4.cloned.1.call-start
scs
__scs_entry_jumppad:
0x0: {  	(pc) =	sbr.rel $0x88, $3  }
0x1: {  	(tag) =	ssettag $0x0;
	lr =	simm.s32 $0x1  }
0x2: {  	[smem:$0x3FA0] =	sst lr;
	_ =	strace $0xD0000000  }
0x3: {  	_ = 	snop  }
0x4: {  	_ = 	snop  }
0x5: {  	_ = 	snop  }
0x6: {  	_ = 	snop  }
0x7: {  	_ = 	snop  }
__scs_overlays_trampoline_lowered:
0x8: {  	[smem:$0x3FAF] =	sst s0  }
0x9: {  	[smem:$0x3FB0] =	sst s1  }
0xa: {  	[smem:$0x3FB1] =	sst s2  }
0xb: {  	[smem:$0x3FB2] =	sst s3  }
0xc: {  	[smem:$0x3FB3] =	sst s4  }
0xd: {  	[smem:$0x3FB4] =	sst s5  }
0xe: {  	[smem:$0x3FB5] =	sst s6  }
0xf: {  	[smem:$0x3FB6] =	sst s7  }
0x10: {  	[smem:$0x3FB7] =	sst s8  }
0x11: {  	[smem:$0x3FB8] =	sst s9;
	s0 =	simm.s32 @!p0 $0x0  }
0x12: {  	s1 =	sld [smem:$0x3F9E];
	s0 =	simm.s32 @p0 $0x1  }
0x13: {  	[smem:$0x3FB9] =	sst s0;
	s0 =	simm.s32 @!p1 $0x0  }
0x14: {  	s2 =	sld [smem:$0x3F9D];
	s0 =	simm.s32 @p1 $0x1  }
0x15: {  	[smem:$0x3FBA] =	sst s0;
	s0 =	simm.s32 @!p2 $0x0  }
0x16: {  	s3 =	sld [smem:$0x3FDB];
	s0 =	simm.s32 @p2 $0x1  }
0x17: {  	s4 =	simm.s32 $0x1BF5;
	[smem:$0x3FBC] =	sst s0  }
0x18: {  	s0 =	sld [smem:$0x3F9F];
	_ =	swait.ge [sflag:s4], $0x0  }
0x19: {  	s7 =	sld [smem:$0x3FA0]  }
0x1a: {  	s8 =	sadd.s32 $0xFFFFE003, lr  }
0x1b: {  	s9 =	sadd.s32 $0xFFFFFEF7, lr;
	s5 =	simm.s32 $0xFFFFFFFF;
	p2 =	slt.u32 s8, $0xFFFFF086  }
0x1c: {  	p1 =	slt.u32 s9, $0xF7A;
	s5 =	simm.s32 @!p2 $0x0  }
0x1d: {  	s5 =	simm.s32 @p1 $0x1;
	p0 =	seq.s32 s7, s2  }
0x1e: {  	s7 =	smul.u32 @!p0 $0xF7A, s2;
	p2 =	seq.s32 @!p0 s5, $0x0  }
0x1f: {  	s9 =	smul.u32 $0xF7A, s1;
	s8 =	simm.s32 @!p0 $0x1BF5;
	p2 =	por !p2, p0  }
0x20: {  	[sflag:s8] =	ssyncset.s32 @!p0 $0xFFFFF086;
	s6 =	sadd.s32 @!p0 s3, s7;
	s7 =	simm.s32 @!p0 $0x108  }
0x21: {  	s3 =	sadd.s32 s3, s9;
	s6 =	sadd.s32 @!p0 $0x88, s6;
	s7 =	simm.s32 @p2 $0x1082  }
0x22: {  	[simem:s7], [sflag:s8] =	dma.local @!p0 [hbm:s6], $0xF7A  }
0x23: {  	s9 =	sor.u32 $0xD0000000, s2;
	s6 =	simm.s32 $0x108;
	_ =	swait.ge @!p0 [sflag:s8], $0x0  }
0x24: {  	s3 =	sadd.s32 $0x88, s3;
	s6 =	simm.s32 @!p1 $0x1082;
	[sflag:s4] =	ssyncset.s32 $0xFFFFF086  }
0x25: {  	[simem:s6], [sflag:s4] =	dma.local [hbm:s3], $0xF7A  }
0x26: {  	[smem:$0x3FA0] =	sst s1;
	(tag) =	ssettag s2;
	_ =	strace s9  }
0x27: {  	s1 =	sld [smem:$0x3FB0]  }
0x28: {  	s2 =	sld [smem:$0x3FB1]  }
0x29: {  	s4 =	sld [smem:$0x3FB3]  }
0x2a: {  	p0 =	seq.s32 s5, $0x0;
	s5 =	sld [smem:$0x3FB4]  }
0x2b: {  	s6 =	sld [smem:$0x3FB5]  }
0x2c: {  	s7 =	sld [smem:$0x3FB6]  }
0x2d: {  	s3 =	simm.s32 $0x108;
	s8 =	sld [smem:$0x3FB7]  }
0x2e: {  	s3 =	simm.s32 @!p0 $0x1082;
	s9 =	sld [smem:$0x3FB8]  }
0x2f: {  	lr =	sadd.s32 s0, s3;
	s0 =	sld [smem:$0x3FAF]  }
0x30: {  	s3 =	sld [smem:$0x3FB2]  }
0x31: {  	[smem:$0x3FBB] =	sst s10  }
0x32: {  	s10 =	sld [smem:$0x3FB9];
	_ =	sdelay $0x3  }
0x33: {  	p0 =	seq.s32 s10, $0x1;
	s10 =	sld [smem:$0x3FBB];
	_ =	sdelay $0x3  }
0x34: {  	[smem:$0x3FBB] =	sst s10  }
0x35: {  	s10 =	sld [smem:$0x3FBA];
	_ =	sdelay $0x3  }
0x36: {  	p1 =	seq.s32 s10, $0x1;
	s10 =	sld [smem:$0x3FBB];
	_ =	sdelay $0x3  }
0x37: {  	[smem:$0x3FBB] =	sst s10  }
0x38: {  	s10 =	sld [smem:$0x3FBC]  }
0x39: {  	_ = 	snop;
	(pc) =	sbr.ind lr, $3  }
0x3a: {  	_ = 	snop  }
0x3b: {  	_ = 	snop  }
0x3c: {  	p2 =	seq.s32 s10, $0x1;
	s10 =	sld [smem:$0x3FBB]  }
0x3d: {  	_ =	shalt  }
0x3e: {  	_ =	shalt  }
0x3f: {  	_ =	shalt  }
0x40: {  	_ =	shalt  }
0x41: {  	_ =	shalt  }
0x42: {  	_ =	shalt  }
0x43: {  	_ =	shalt  }
0x44: {  	_ =	shalt  }
0x45: {  	_ =	shalt  }
0x46: {  	_ =	shalt  }
0x47: {  	_ =	shalt  }
0x48: {  	_ =	shalt  }
0x49: {  	_ =	shalt  }
0x4a: {  	_ =	shalt  }
0x4b: {  	_ =	shalt  }
0x4c: {  	_ =	shalt  }
0x4d: {  	_ =	shalt  }
0x4e: {  	_ =	shalt  }
0x4f: {  	_ =	shalt  }
0x50: {  	_ =	shalt  }
0x51: {  	_ =	shalt  }
0x52: {  	_ =	shalt  }
0x53: {  	_ =	shalt  }
0x54: {  	_ =	shalt  }
0x55: {  	_ =	shalt  }
0x56: {  	_ =	shalt  }
0x57: {  	_ =	shalt  }
0x58: {  	_ =	shalt  }
0x59: {  	_ =	shalt  }
0x5a: {  	_ =	shalt  }
0x5b: {  	_ =	shalt  }
0x5c: {  	_ =	shalt  }
0x5d: {  	_ =	shalt  }
0x5e: {  	_ =	shalt  }
0x5f: {  	_ =	shalt  }
0x60: {  	_ =	shalt  }
0x61: {  	_ =	shalt  }
0x62: {  	_ =	shalt  }
0x63: {  	_ =	shalt  }
0x64: {  	_ =	shalt  }
0x65: {  	_ =	shalt  }
0x66: {  	_ =	shalt  }
0x67: {  	_ =	shalt  }
0x68: {  	_ =	shalt  }
0x69: {  	_ =	shalt  }
0x6a: {  	_ =	shalt  }
0x6b: {  	_ =	shalt  }
0x6c: {  	_ =	shalt  }
0x6d: {  	_ =	shalt  }
0x6e: {  	_ =	shalt  }
0x6f: {  	_ =	shalt  }
0x70: {  	_ =	shalt  }
0x71: {  	_ =	shalt  }
0x72: {  	_ =	shalt  }
0x73: {  	_ =	shalt  }
0x74: {  	_ =	shalt  }
0x75: {  	_ =	shalt  }
0x76: {  	_ =	shalt  }
0x77: {  	_ =	shalt  }
0x78: {  	_ =	shalt  }
0x79: {  	_ =	shalt  }
0x7a: {  	_ =	shalt  }
0x7b: {  	_ =	shalt  }
0x7c: {  	_ =	shalt  }
0x7d: {  	_ =	shalt  }
0x7e: {  	_ =	shalt  }
0x7f: {  	_ =	shalt  }
0x80: {  	_ =	shalt  }
0x81: {  	_ =	shalt  }
0x82: {  	_ =	shalt  }
0x83: {  	_ =	shalt  }
0x84: {  	_ =	shalt  }
0x85: {  	_ =	shalt  }
0x86: {  	_ =	shalt  }
0x87: {  	_ =	shalt  }
.Lfunc_end0:
.L_simem_size_0:
called_computation_lowered:
.L_overlay_start_0:
0x88: {  	s2 =	sld [smem:$0x3FD9]  }
0x89: {  	s3 =	sld [smem:$0x3FFE];
	_ =	sdelay $0x1  }
0x8a: {  	s1 =	srdreg.scid  }
0x8b: {  	s0 =	sand.u32 $0x1, s1  }
0x8c: {  	s15 =	sshll.u32 s0, $0xA;
	s2 =	sadd.s32 s3, s2  }
0x8d: {  	s2 =	sadd.s32 s2, s15  }
0x8e: {  	[smem:$0x3FC7] =	sst s2  }
0x8f: {  	_ = 	snop  }
0x90: {  	s2 =	sld [smem:$0x3FD0];
	_ =	sdelay $0x2  }
0x91: {  	s16 =	simm.s32 $0xA;
	s4 =	simm.s32 $0x10  }
0x92: {  	[smem:s4], [sflag:s16] =	dma.local [hbm:s2], $0x1  }
0x93: {  	_ =	swait.eq [sflag:s16], $0x1  }
0x94: {  	[sflag:s16] =	ssyncset.done $0x0  }
0x95: {  	s17 =	sld [smem:$0x11];
	[sflag:s16] =	ssyncadd.s32 $0xFFFFFFFF  }
0x96: {  	s18 =	sld [smem:$0x12];
	(tm) =	ssettm $0x1  }
0x97: {  	s19 =	sld [smem:$0x3FFB];
	_ =	sdelay $0x3  }
0x98: {  	_ =	strace s19  }
0x99: {  	s4 =	sld [smem:$0x3FFC];
	_ =	sdelay $0x3  }
0x9a: {  	_ =	strace s4  }
0x9b: {  	s4 =	sld [smem:$0x3FFD];
	_ =	sdelay $0x3  }
0x9c: {  	_ =	strace s4  }
0x9d: {  	_ =	strace $0x8FFFFFFF  }
0x9e: {  	s20 =	sld [smem:$0x3FDB];
	_ =	sdelay $0x1  }
0x9f: {  	s5 =	simm.s32 $_scs_section_size  }
0xa0: {  	s6 =	simm.s32 $_size__tile_overlayer_lowered;
	s7 =	simm.s32 $_tile_overlayer_lowered  }
0xa1: {  	s23 =	simm.s32 $0x1BFF;
	s22 =	sshll.u32 s7, $0x1;
	s4 =	sadd.s32 s5, s20  }
0xa2: {  	s8 =	simm.s32 $0x0;
	s21 =	sshll.u32 s6, $0x1;
	s6 =	sadd.s32 s22, s4  }
0xa3: {  	[timem:s8], [sflag:s23] =	dma.local [hbm:s6], s21  }
0xa4: {  	_ =	swait.ge [sflag:s23], s21  }
0xa5: {  	s5 =	ssub.s32 $0x0, s21;
	[sflag:s23] =	ssyncset.done $0x0  }
0xa6: {  	[sflag:s23] =	ssyncadd.s32 s5;
	_ =	sdelay $0x1  }
0xa7: {  	s24 =	simm.s32 $0x1B8B  }
0xa8: {  	_ =	swait.ge [sflag:s24], $0x1  }
0xa9: {  	[sflag:s24] =	ssyncset.done $0x0  }
0xaa: {  	s25 =	simm.s32 $0x1B8E;
	[sflag:s24] =	ssyncadd.s32 $0xFFFFFFFF  }
0xab: {  	s26 =	simm.s32 $execute0_lowered;
	[smem:$0x3FD2] =	sst s25  }
0xac: {  	s5 =	sshll.u32 s26, $0x1;
	_ =	strace $0x80000046;
	[dreg:$0x1] =	wrdreg $0xFFFFFFFF  }
0xad: {  	s28 =	simm.s32 $_size_execute0_lowered;
	s4 =	sadd.s32 s4, s5;
	[dreg:$0x0] =	wrdreg $0x0  }
0xae: {  	s5 =	sshll.u32 s28, $0x1;
	[dreg:$0x2] =	wrdreg s4  }
0xaf: {  	[dreg:$0x3] =	wrdreg s5  }
0xb0: {  	[dreg:$0x4] =	wrdreg $0xC0  }
0xb1: {  	_ =	task [dreg:s8], $0x5FFFF  }
0xb2: {  	[dreg:$0x1] =	wrdreg $0xFFFFFFFF  }
0xb3: {  	[dreg:$0x0] =	wrdreg $0x60  }
0xb4: {  	[dreg:$0x2] =	wrdreg s17  }
0xb5: {  	[dreg:$0x3] =	wrdreg s18  }
0xb6: {  	[dreg:$0x4] =	wrdreg $0x9  }
0xb7: {  	_ =	task.clear_ibuf [dreg:s8], $0x5FFFF;
	_ =	strace $0x90000046  }
0xb8: {  	s29 =	simm.s32 $0x9;
	_ =	strace $0x80000048  }
0xb9: {  	_ =	swait.ge [sflag:s29], $0x1  }
0xba: {  	[sflag:s29] =	ssyncadd.s32 $0xFFFFFFFF  }
0xbb: {  	_ =	strace $0x90000048  }
0xbc: {  	_ =	sfence  }
0xbd: {  	s30 =	sld [smem:$0x0];
	_ =	sdelay $0x2  }
0xbe: {  	s31 =	sshll.u32 s1, $0xD;
	s1 =	sshrl.u32 s1, $0x2  }
0xbf: {  	s3 =	sand.u32 $0x4000, s31;
	s1 =	sadd.s32 s1, s30  }
0xc0: {  	s0 =	sor.u32 s3, s0;
	s1 =	sshll.u32 s1, $0x11  }
0xc1: {  	s0 =	sor.u32 s1, s0  }
0xc2: {  	s0 =	sadd.s32 $0x8F2B, s0  }
0xc3: {  	[sflag:s0] =	ssyncadd.remote.s32 $0x1  }
0xc4: {  	_ =	sfence.sel $0xFFFF  }
0xc5: {  	[dreg:$0x0] =	wrdreg $0xFFFFFFFF;
	(pc) =	sbr.abs _section_cstart, $3  }
0xc6: {  	[dreg:$0x1] =	wrdreg $0xFFFFFFFF  }
0xc7: {  	_ =	task.clear_ibuf [dreg:s8], $0x2FFFF;
	_ =	strace $0x9FFFFFFF  }
0xc8: {  	(tm) =	ssettm $0x7FFFFFFF  }
0xc9: {  	_ =	shalt  }
tec
execute0_lowered:
.L_overlay_start_1:
0x0: {  	(tag) =	ssettag $0x1  }
0x1: {  	s3 =	rddreg [dreg:$0x0]  }
0x2: {  	s1 =	srdreg.scid;
	s0 =	stileid.u32;
	v0 =	vlaneseq.u32  }
0x3: {  	s4 =	rddreg [dreg:$0x1];
	s5 =	sand.u32 $0x1, s1;
	s2 =	sshll.u32 s0, $0x1;
	v0 =	vmul.u32 $0x5, v0  }
0x4: {  	s1 =	rddreg [dreg:$0x2];
	s6 =	sor.u32 s5, s2;
	s2 =	simm.s32 $0x0  }
0x5: {  	[smem:$0x7FF] =	sst s2;
	v1 =	vadd.s32 $0x1, v0  }
0x6: {  	s5 =	ssub.s32 $0x2, s5;
	s7 =	smul.u32 $0xD0, s6;
	v62 =	vadd.s32 $0x2, v0;
	_ =	strace $0x80000047;
	[tilespmem:$0x1FFB0] =	vst v1  }
0x7: {  	s8 =	sshrl.u32 s5, $0x1;
	s6 =	smul.u32 $0x410, s6;
	v63 =	vadd.s32 $0x3, v0;
	[tilespmem:$0x1FFC0] =	vst v62  }
0x8: {  	s5 =	ssub.s32 s5, s8;
	[tilespmem:$0x1FFD0] =	vst v63  }
0x9: {  	[tilespmem:$0x1FFE0] =	vst v0;
	v0 =	vadd.s32 $0x4, v0;
	s8 =	simm.s32 $0x0;
	s3 =	sadd.s32 s3, s7;
	s4 =	sadd.s32 s4, s6  }
0xa: {  	s5 =	smax.u32 s5, $0x1;
	s6 =	simm.s32 $0x1;
	s7 =	simm.s32 $0x680;
	[tilespmem:$0x1FFF0] =	vst v0  }
.LBB2_1:
0xb: {  	[tilespmem:s2], [sflag:$0x1] =	stream.linear.gather [hbm4b:s3+s2], $0x680, $0x38;
	[tilespmem:$0x2700] =	vst v63  }
0xc: {  	_ =	swait.ge [sflag:s6], $0x680  }
0xd: {  	[sflag:s6] =	ssyncset.done $0x0  }
0xe: {  	s10 =	simm.s32 $0x40;
	[sflag:s6] =	ssyncadd.s32 $0xFFFFF980  }
0xf: {  	v5 =	vld [tilespmem:s10+$0x30]  }
0x10: {  	v22 =	vld [tilespmem:s10+$0xFFFFFFD0]  }
0x11: {  	v21 =	vld [tilespmem:s10+$0xFFFFFFE0]  }
0x12: {  	v40 =	vld [tilespmem:s10+$0xFFFFFFF0]  }
0x13: {  	v41 =	vld [tilespmem:s10+$0x0]  }
0x14: {  	v24 =	vld [tilespmem:s10+$0xFFFFFFC0]  }
0x15: {  	v57 =	vld [tilespmem:s10+$0x10]  }
0x16: {  	v42 =	vld [tilespmem:s10+$0x20];
	_ =	sdelay $0x1  }
0x17: {  	v6 =	vcvt.s32.f32 v5;
	v7 =	vcvt.s32.f32 v22  }
0x18: {  	v8 =	vcvt.s32.f32 v21;
	v9 =	vcvt.s32.f32 v40  }
0x19: {  	v10 =	vcvt.s32.f32 v41;
	v25 =	vcvt.s32.f32 v24;
	v6 =	vadd.f32 $5.000000000e-01, v6  }
0x1a: {  	v30 =	vcvt.s32.f32 v57;
	v31 =	vcvt.s32.f32 v42  }
0x1b: {  	v25 =	vadd.f32 $5.000000000e-01, v25;
	v11 =	vmul.f32 $1.000000010e-01, v6;
	v12 =	vmul.f32 $9.999999770e-03, v6  }
0x1c: {  	v13 =	vmul.f32 $1.000000050e-03, v6;
	v6 =	vmul.f32 $9.999999740e-05, v6  }
0x1d: {  	v7 =	vadd.f32 $5.000000000e-01, v7;
	v32 =	vmul.f32 $1.000000010e-01, v25;
	v33 =	vmul.f32 $9.999999770e-03, v25  }
0x1e: {  	v63 =	vmul.f32 $1.000000050e-03, v25;
	v25 =	vmul.f32 $9.999999740e-05, v25  }
0x1f: {  	v8 =	vadd.f32 $5.000000000e-01, v8;
	v34 =	vmul.f32 $1.000000010e-01, v7;
	v35 =	vmul.f32 $9.999999770e-03, v7  }
0x20: {  	v9 =	vadd.f32 $5.000000000e-01, v9;
	v37 =	vmul.f32 $1.000000050e-03, v7;
	v7 =	vmul.f32 $9.999999740e-05, v7  }
0x21: {  	v10 =	vadd.f32 $5.000000000e-01, v10;
	v38 =	vmul.f32 $9.999999770e-03, v8;
	v39 =	vmul.f32 $1.000000050e-03, v8  }
0x22: {  	v1 =	vld [tilespmem:$0x1FFB0];
	v46 =	vmul.f32 $1.000000010e-01, v9;
	v47 =	vmul.f32 $9.999999770e-03, v9  }
0x23: {  	v2 =	vld [tilespmem:$0x1FFC0];
	v30 =	vadd.f32 $5.000000000e-01, v30;
	v48 =	vmul.f32 $1.000000010e-01, v10;
	v49 =	vmul.f32 $9.999999770e-03, v10  }
0x24: {  	v50 =	vmul.f32 $1.000000050e-03, v10;
	v51 =	vmul.f32 $9.999999740e-05, v10  }
0x25: {  	v52 =	vmul.f32 $1.000000010e-01, v30;
	v53 =	vmul.f32 $9.999999770e-03, v30  }
0x26: {  	s28 =	simm.s32 $0x0;
	v10 =	vadd.f32 $5.000000000e-01, v31;
	v11 =	vtrunc.f32 v11;
	v12 =	vtrunc.f32 v12  }
0x27: {  	v58 =	vor.u32 s28, v1;
	v16 =	vtrunc.f32 v13;
	v6 =	vtrunc.f32 v6  }
0x28: {  	v59 =	vor.u32 s28, v2;
	[tilespmem:$0x1FF60] =	vst v58;
	v55 =	vmul.f32 $1.000000010e-01, v10;
	v58 =	vtrunc.f32 v32  }
0x29: {  	s9 =	simm.s32 $0x230;
	[tilespmem:$0x1FF70] =	vst v59;
	v33 =	vtrunc.f32 v33;
	v59 =	vtrunc.f32 v63  }
0x2a: {  	v3 =	vadd.s32 s9, v2;
	v25 =	vtrunc.f32 v25;
	v34 =	vtrunc.f32 v34  }
0x2b: {  	[tilespmem:$0x1FF00] =	vst v3;
	v3 =	vld [tilespmem:$0x1FFD0];
	v35 =	vtrunc.f32 v35;
	v37 =	vtrunc.f32 v37  }
0x2c: {  	v38 =	vtrunc.f32 v38;
	v39 =	vtrunc.f32 v39  }
0x2d: {  	v0 =	vld [tilespmem:$0x1FFE0];
	v47 =	vtrunc.f32 v47;
	v48 =	vtrunc.f32 v48  }
0x2e: {  	v49 =	vtrunc.f32 v49;
	v52 =	vtrunc.f32 v52  }
0x2f: {  	v53 =	vtrunc.f32 v53;
	v11 =	vcvt.f32.s32 v11  }
0x30: {  	v4 =	vadd.s32 s9, v3;
	v12 =	vcvt.f32.s32 v12;
	v26 =	vcvt.f32.s32 v16  }
0x31: {  	s11 =	simm.s32 $0x50;
	[tilespmem:$0x1FF20] =	vst v4;
	v4 =	vld [tilespmem:$0x1FFF0];
	v6 =	vcvt.f32.s32 v6;
	v58 =	vcvt.f32.s32 v58  }
0x32: {  	v61 =	vadd.s32 s11, v0;
	v59 =	vcvt.f32.s32 v59;
	v14 =	vcvt.f32.s32 v34  }
0x33: {  	v62 =	vadd.s32 s11, v1;
	v16 =	vcvt.f32.s32 v35;
	v17 =	vcvt.f32.s32 v37  }
0x34: {  	v63 =	vadd.s32 s11, v2;
	v18 =	vcvt.f32.s32 v38;
	v19 =	vcvt.f32.s32 v39  }
0x35: {  	v55 =	vtrunc.f32 v55;
	v23 =	vmul.u32 $0xFFFFFFF6, v11;
	v28 =	vmul.u32 $0xFFFFFFF6, v12  }
0x36: {  	v29 =	vmul.u32 $0xFFFFFFF6, v26;
	v13 =	vadd.s32 s9, v4;
	v60 =	vor.u32 s28, v4  }
0x37: {  	v5 =	vadd.s32 v23, v5;
	v11 =	vadd.s32 v28, v11;
	[tilespmem:$0x1FE90] =	vst v60;
	v60 =	vtrunc.f32 v7  }
0x38: {  	[tilespmem:$0x1FF30] =	vst v13;
	v12 =	vadd.s32 v29, v12;
	v13 =	vcvt.f32.s32 v33;
	v33 =	vcvt.f32.s32 v25  }
0x39: {  	[tilespmem:$0x1FF80] =	vst v61;
	v25 =	vmul.u32 $0xFFFFFFF6, v58;
	v5 =	vadd.s32 $0x1, v5;
	v11 =	vadd.s32 $0x1, v11  }
0x3a: {  	s29 =	simm.s32 $0xA0;
	v12 =	vadd.s32 $0x1, v12;
	v34 =	vcvt.f32.s32 v60;
	[tilespmem:$0x1FEF0] =	vst v11;
	v11 =	vmul.f32 $1.000000010e-01, v8  }
0x3b: {  	v60 =	vmul.u32 $0xFFFFFFF6, v59;
	v8 =	vmul.f32 $9.999999740e-05, v8;
	[tilespmem:$0x1FF10] =	vst v12;
	v12 =	vmul.f32 $1.000000050e-03, v9  }
0x3c: {  	[tilespmem:$0x1FEE0] =	vst v5;
	v9 =	vmul.f32 $9.999999740e-05, v9;
	v5 =	vtrunc.f32 v46;
	v46 =	vadd.s32 s29, v3  }
0x3d: {  	[tilespmem:$0x1FF90] =	vst v62;
	v15 =	vmul.u32 $0xFFFFFFF6, v13;
	v60 =	vadd.s32 v60, v13;
	v61 =	vtrunc.f32 v11  }
0x3e: {  	[tilespmem:$0x1FFA0] =	vst v63;
	v13 =	vmul.u32 $0xFFFFFFF6, v17;
	v62 =	vtrunc.f32 v8;
	v63 =	vtrunc.f32 v12  }
0x3f: {  	v20 =	vtrunc.f32 v9;
	v58 =	vadd.s32 v15, v58;
	v61 =	vcvt.f32.s32 v61  }
0x40: {  	v35 =	vcvt.f32.s32 v62;
	v62 =	vadd.s32 v25, v24;
	v25 =	vcvt.f32.s32 v5  }
0x41: {  	v15 =	vmul.u32 $0xFFFFFFF6, v16;
	v5 =	vcvt.f32.s32 v47;
	v47 =	vcvt.f32.s32 v63  }
0x42: {  	v24 =	vmul.u32 $0xFFFFFFF6, v14;
	v37 =	vcvt.f32.s32 v20;
	v20 =	vcvt.f32.s32 v48  }
0x43: {  	v48 =	vcvt.f32.s32 v49;
	v31 =	vadd.s32 v15, v14;
	v14 =	vmul.u32 $0xFFFFFFF6, v18  }
0x44: {  	v27 =	vadd.s32 v13, v16;
	v13 =	vmul.u32 $0xFFFFFFF6, v19;
	v63 =	vadd.s32 v24, v22  }
0x45: {  	v22 =	vmul.u32 $0xFFFFFFF6, v61;
	v61 =	vadd.s32 v14, v61;
	v14 =	vmul.u32 $0xFFFFFFF6, v5  }
0x46: {  	[tilespmem:$0x1FEC0] =	vst v46;
	v46 =	vcvt.f32.s32 v53;
	v24 =	vcvt.f32.s32 v52;
	v53 =	vadd.s32 v13, v18  }
0x47: {  	v18 =	vmul.u32 $0xFFFFFFF6, v20;
	v52 =	vadd.s32 v14, v25;
	v14 =	vmul.u32 $0xFFFFFFF6, v48  }
0x48: {  	v36 =	vmul.u32 $0xFFFFFFF6, v6;
	v6 =	vadd.s32 $0x1, v6;
	v16 =	vcvt.f32.s32 v55  }
0x49: {  	[tilespmem:$0x1FF40] =	vst v6;
	v6 =	vadd.s32 v18, v41;
	v41 =	vadd.s32 v14, v20;
	v14 =	vmul.u32 $0xFFFFFFF6, v46;
	_ =	sdelay $0x1  }
0x4a: {  	v9 =	vadd.s32 v14, v24;
	v14 =	vmul.u32 $0xFFFFFFF6, v16;
	_ =	sdelay $0x1  }
0x4b: {  	v44 =	vadd.s32 s9, v0;
	v43 =	vor.u32 s28, v0;
	v49 =	vadd.s32 v14, v42;
	v14 =	vld [tilespmem:$0x1FEE0]  }
0x4c: {  	[tilespmem:$0x1FF50] =	vst v43;
	v43 =	vadd.s32 s29, v2;
	v54 =	vmul.f32 $9.999999740e-05, v30;
	v56 =	vmul.f32 $9.999999770e-03, v10  }
0x4d: {  	[tilespmem:$0x1FEB0] =	vst v43;
	v26 =	vadd.s32 v36, v26;
	v36 =	vadd.s32 s29, v1;
	v43 =	vmul.u32 $0xFFFFFFF6, v33  }
0x4e: {  	v50 =	vtrunc.f32 v50;
	v51 =	vtrunc.f32 v51;
	[tilespmem:$0x1FEA0] =	vst v36;
	v36 =	vadd.s32 s29, v4  }
0x4f: {  	v54 =	vtrunc.f32 v54;
	[tilespmem:$0x1FED0] =	vst v36;
	v59 =	vadd.s32 v43, v59;
	v43 =	vmul.u32 $0xFFFFFFF6, v34  }
0x50: {  	v45 =	vadd.s32 s9, v1;
	v50 =	vcvt.f32.s32 v50;
	v38 =	vcvt.f32.s32 v51;
	[tilespmem:v44+s7+$0x0] =	vst.idx.msk $0xffff, v14  }
0x51: {  	v39 =	vcvt.f32.s32 v54;
	v55 =	vadd.s32 v43, v17;
	v17 =	vmul.u32 $0xFFFFFFF6, v35;
	v14 =	vld [tilespmem:$0x1FEF0]  }
0x52: {  	v56 =	vtrunc.f32 v56;
	v29 =	vadd.s32 $0x1, v26;
	v26 =	vmul.f32 $1.000000050e-03, v30  }
0x53: {  	v54 =	vcvt.f32.s32 v56;
	v36 =	vadd.s32 v17, v19;
	v17 =	vmul.u32 $0xFFFFFFF6, v37  }
0x54: {  	v23 =	vmul.f32 $1.000000050e-03, v10;
	v26 =	vtrunc.f32 v26;
	v13 =	vmul.u32 $0xFFFFFFF6, v47  }
0x55: {  	v56 =	vadd.s32 v22, v21;
	v43 =	vadd.s32 v17, v47;
	v17 =	vmul.u32 $0xFFFFFFF6, v38  }
0x56: {  	v21 =	vmul.u32 $0xFFFFFFF6, v25;
	v8 =	vadd.s32 v13, v5;
	v13 =	vmul.u32 $0xFFFFFFF6, v50;
	[tilespmem:v45+s7+$0x0] =	vst.idx.msk $0xffff, v14  }
0x57: {  	v15 =	vcvt.f32.s32 v26;
	v5 =	vadd.s32 v17, v50;
	v17 =	vmul.u32 $0xFFFFFFF6, v39;
	v14 =	vld [tilespmem:$0x1FF00]  }
0x58: {  	v7 =	vadd.s32 v21, v40;
	v40 =	vadd.s32 v13, v48  }
0x59: {  	v13 =	vmul.u32 $0xFFFFFFF6, v15;
	v51 =	vadd.s32 v17, v15;
	v15 =	vtrunc.f32 v23  }
0x5a: {  	v42 =	vcvt.f32.s32 v15;
	v15 =	vld [tilespmem:$0x1FF10];
	_ =	sdelay $0x4  }
0x5b: {  	[tilespmem:v14+s7+$0x0] =	vst.idx.msk $0xffff, v15  }
0x5c: {  	v45 =	vld [tilespmem:$0x1FF20];
	_ =	sdelay $0x6  }
0x5d: {  	v28 =	vmul.f32 $9.999999740e-05, v10;
	v50 =	vadd.s32 v13, v46;
	v13 =	vmul.u32 $0xFFFFFFF6, v54  }
0x5e: {  	[tilespmem:v45+s7+$0x0] =	vst.idx.msk $0xffff, v29  }
0x5f: {  	v48 =	vadd.s32 v13, v16;
	v13 =	vtrunc.f32 v28;
	v46 =	vld [tilespmem:$0x1FF30]  }
0x60: {  	v47 =	vcvt.f32.s32 v13;
	v13 =	vmul.u32 $0xFFFFFFF6, v42;
	_ =	sdelay $0x1  }
0x61: {  	v28 =	vadd.s32 v13, v54;
	v54 =	vld [tilespmem:$0x1FF40];
	_ =	sdelay $0x4  }
0x62: {  	s30 =	simm.s32 $0xF0;
	s31 =	simm.s32 $0x140;
	s10 =	simm.s32 $0x190;
	v12 =	vadd.s32 s29, v0;
	[tilespmem:v46+s7+$0x0] =	vst.idx.msk $0xffff, v54  }
0x63: {  	v22 =	vadd.s32 s30, v0;
	v19 =	vadd.s32 s31, v0;
	v16 =	vadd.s32 s10, v0;
	v0 =	vld [tilespmem:$0x1FF50];
	_ =	sdelay $0x4  }
0x64: {  	v18 =	vmul.u32 $0xFFFFFFF6, v24;
	_ =	sdelay $0x1  }
0x65: {  	v10 =	vadd.s32 v18, v57;
	v57 =	vadd.s32 $0x1, v62  }
0x66: {  	[tilespmem:v0+s7+$0x0] =	vst.idx.msk $0xffff, v57  }
0x67: {  	v0 =	vld [tilespmem:$0x1FF60];
	_ =	sdelay $0x6  }
0x68: {  	v62 =	vadd.s32 $0x1, v58  }
0x69: {  	[tilespmem:v0+s7+$0x0] =	vst.idx.msk $0xffff, v62  }
0x6a: {  	v0 =	vld [tilespmem:$0x1FF70];
	_ =	sdelay $0x3  }
0x6b: {  	v32 =	vor.u32 s28, v3;
	_ =	sdelay $0x1  }
0x6c: {  	v11 =	vadd.s32 s11, v4;
	v13 =	vmul.u32 $0xFFFFFFF6, v47  }
0x6d: {  	v18 =	vadd.s32 s31, v4;
	v20 =	vadd.s32 s30, v4;
	v4 =	vadd.s32 $0x1, v60  }
0x6e: {  	v29 =	vadd.s32 v13, v42;
	v42 =	vadd.s32 $0x1, v59;
	[tilespmem:v0+s7+$0x0] =	vst.idx.msk $0xffff, v4  }
0x6f: {  	[tilespmem:v32+s7+$0x0] =	vst.idx.msk $0xffff, v42  }
0x70: {  	v0 =	vld [tilespmem:$0x1FF80];
	_ =	sdelay $0x6  }
0x71: {  	v44 =	vadd.s32 $0x1, v63  }
0x72: {  	[tilespmem:v0+s7+$0x0] =	vst.idx.msk $0xffff, v44  }
0x73: {  	v0 =	vld [tilespmem:$0x1FF90];
	_ =	sdelay $0x6  }
0x74: {  	v45 =	vadd.s32 $0x1, v31  }
0x75: {  	[tilespmem:v0+s7+$0x0] =	vst.idx.msk $0xffff, v45  }
0x76: {  	v30 =	vadd.s32 s11, v3;
	v26 =	vadd.s32 s30, v2;
	v0 =	vld [tilespmem:$0x1FFA0]  }
0x77: {  	v25 =	vadd.s32 s30, v1;
	v36 =	vadd.s32 $0x1, v36;
	v21 =	vadd.s32 s31, v2  }
0x78: {  	v60 =	vadd.s32 $0x1, v56;
	v58 =	vadd.s32 $0x1, v7;
	v56 =	vadd.s32 $0x1, v8  }
0x79: {  	v24 =	vadd.s32 s30, v3;
	v23 =	vadd.s32 s31, v1;
	v17 =	vadd.s32 s31, v3  }
0x7a: {  	v15 =	vadd.s32 s10, v1;
	v14 =	vadd.s32 s10, v2;
	v13 =	vadd.s32 s10, v3  }
0x7b: {  	v31 =	vadd.s32 $0x1, v61;
	v59 =	vadd.s32 $0x1, v53;
	v53 =	vadd.s32 $0x1, v41  }
0x7c: {  	v41 =	vadd.s32 $0x1, v9;
	v46 =	vadd.s32 $0x1, v27;
	v27 =	vadd.s32 $0x1, v55  }
0x7d: {  	v55 =	vadd.s32 $0x1, v43;
	v54 =	vadd.s32 $0x1, v6;
	v43 =	vadd.s32 $0x1, v40  }
0x7e: {  	s12 =	simm.s32 $0x1E0;
	s13 =	simm.s32 $0xC0;
	s11 =	simm.s32 $0x0;
	v40 =	vadd.s32 $0x1, v10;
	v57 =	vadd.s32 $0x1, v52;
	v52 =	vadd.s32 $0x1, v5;
	[tilespmem:v0+s7+$0x0] =	vst.idx.msk $0xffff, v46  }
.LBB2_2:
0x7f: {  	_ =	sdelay $0x2  }
0x80: {  	v10 =	vadd.s32 $0x1, v28;
	v28 =	vld [tilespmem:s13+$0x0];
	[tilespmem:v30+s7+$0x0] =	vst.idx.msk $0xffff, v27  }
0x81: {  	[tilespmem:v12+s7+$0x0] =	vst.idx.msk $0xffff, v60  }
0x82: {  	v27 =	vld [tilespmem:s13+$0xFFFFFFF0];
	[tilespmem:v22+s7+$0x0] =	vst.idx.msk $0xffff, v58  }
0x83: {  	[tilespmem:v19+s7+$0x0] =	vst.idx.msk $0xffff, v54  }
0x84: {  	v12 =	vadd.s32 $0x1, v29;
	v29 =	vld [tilespmem:s13+$0x10];
	[tilespmem:v16+s7+$0x0] =	vst.idx.msk $0xffff, v40  }
0x85: {  	v61 =	vld [tilespmem:s13+$0x30];
	v32 =	vadd.s32 $0x1, v34;
	[tilespmem:$0x1FD70] =	vst v28  }
0x86: {  	v3 =	vld [tilespmem:s13+$0xFFFFFFD0];
	[tilespmem:v11+s7+$0x0] =	vst.idx.msk $0xffff, v32  }
0x87: {  	v2 =	vld [tilespmem:$0x1FFC0];
	[tilespmem:v25+s7+$0x0] =	vst.idx.msk $0xffff, v57  }
0x88: {  	v0 =	vld [tilespmem:$0x1FEA0];
	[tilespmem:v23+s7+$0x0] =	vst.idx.msk $0xffff, v53  }
0x89: {  	v44 =	vadd.s32 $0x1, v51;
	v51 =	vld [tilespmem:$0x1FE90];
	[tilespmem:v15+s7+$0x0] =	vst.idx.msk $0xffff, v41  }
0x8a: {  	v4 =	vld [tilespmem:$0x1FFF0];
	s9 =	sadd.s32 $0x280, s9;
	[tilespmem:v26+s7+$0x0] =	vst.idx.msk $0xffff, v56  }
0x8b: {  	v42 =	vadd.s32 $0x1, v50;
	v1 =	vld [tilespmem:$0x1FEB0];
	s17 =	sadd.s32 $0xFFFFFE20, s9;
	[tilespmem:v21+s7+$0x0] =	vst.idx.msk $0xffff, v43  }
0x8c: {  	v41 =	vadd.s32 s17, v2;
	[tilespmem:v14+s7+$0x0] =	vst.idx.msk $0xffff, v42  }
0x8d: {  	v45 =	vadd.s32 $0x1, v49;
	v62 =	vld [tilespmem:$0x1FEC0];
	[tilespmem:$0x1FE60] =	vst v41  }
0x8e: {  	v30 =	vadd.s32 $0x1, v33;
	v33 =	vadd.s32 $0x1, v39;
	v8 =	vld [tilespmem:s13+$0xFFFFFFE0];
	v39 =	vcvt.s32.f32 v61;
	[tilespmem:v24+s7+$0x0] =	vst.idx.msk $0xffff, v55  }
0x8f: {  	v46 =	vadd.s32 $0x1, v48;
	v48 =	vadd.s32 $0x1, v35;
	v5 =	vadd.s32 $0x1, v37;
	[tilespmem:v17+s7+$0x0] =	vst.idx.msk $0xffff, v52  }
0x90: {  	v37 =	vadd.s32 $0x1, v38;
	v38 =	vadd.s32 s10, v4;
	v39 =	vadd.f32 $5.000000000e-01, v39;
	[tilespmem:v13+s7+$0x0] =	vst.idx.msk $0xffff, v44  }
0x91: {  	v11 =	vadd.s32 $0x1, v47;
	v6 =	vadd.s32 s12, v2;
	v7 =	vadd.s32 s12, v4;
	[tilespmem:v0+s7+$0x0] =	vst.idx.msk $0xffff, v31;
	v0 =	vld [tilespmem:$0x1FFE0]  }
0x92: {  	s16 =	sadd.s32 $0xFFFFFE70, s9;
	v57 =	vadd.s32 s9, v4;
	[tilespmem:v51+s7+$0x0] =	vst.idx.msk $0xffff, v30;
	v32 =	vcvt.s32.f32 v27;
	v58 =	vmul.f32 $1.000000010e-01, v39  }
0x93: {  	s10 =	sadd.s32 $0xFFFFFF60, s9;
	v44 =	vadd.s32 s16, v4;
	[tilespmem:v1+s7+$0x0] =	vst.idx.msk $0xffff, v59;
	v1 =	vld [tilespmem:$0x1FFB0];
	v59 =	vmul.f32 $9.999999770e-03, v39;
	v63 =	vcvt.s32.f32 v8  }
0x94: {  	[tilespmem:v20+s7+$0x0] =	vst.idx.msk $0xffff, v5;
	v31 =	vadd.s32 s10, v2;
	v60 =	vcvt.s32.f32 v3;
	v26 =	vtrunc.f32 v58  }
0x95: {  	[tilespmem:$0x1FD30] =	vst v3;
	v25 =	vadd.f32 $5.000000000e-01, v32;
	v22 =	vadd.f32 $5.000000000e-01, v63;
	v24 =	vcvt.f32.s32 v26  }
0x96: {  	[tilespmem:v62+s7+$0x0] =	vst.idx.msk $0xffff, v36;
	v3 =	vld [tilespmem:$0x1FFD0];
	v26 =	vtrunc.f32 v59;
	v34 =	vadd.s32 s12, v0;
	v62 =	vadd.s32 s9, v0  }
0x97: {  	v36 =	vld [tilespmem:s13+$0xFFFFFFC0];
	[tilespmem:v38+s7+$0x0] =	vst.idx.msk $0xffff, v33;
	v32 =	vcvt.f32.s32 v26;
	v26 =	vadd.s32 s9, v2;
	v38 =	vadd.s32 s17, v0  }
0x98: {  	[tilespmem:$0x1FD40] =	vst v8;
	v8 =	vld [tilespmem:$0x1FED0];
	v33 =	vmul.f32 $1.000000010e-01, v25;
	v35 =	vadd.s32 s12, v1;
	v63 =	vadd.s32 s9, v1  }
0x99: {  	[tilespmem:v18+s7+$0x0] =	vst.idx.msk $0xffff, v37;
	v54 =	vmul.u32 $0xFFFFFFF6, v24;
	v14 =	vmul.f32 $1.000000010e-01, v22;
	v13 =	vmul.f32 $1.000000050e-03, v22  }
0x9a: {  	s14 =	sadd.s32 $0xFFFFFF10, s9;
	v47 =	vmul.f32 $9.999999740e-05, v22;
	[tilespmem:$0x1FE30] =	vst v38;
	v38 =	vmul.f32 $9.999999770e-03, v25;
	v40 =	vadd.s32 s17, v1  }
0x9b: {  	[tilespmem:$0x1FD60] =	vst v27;
	v27 =	vadd.s32 s14, v1;
	v9 =	vadd.s32 s12, v3;
	v23 =	vmul.u32 $0xFFFFFFF6, v32  }
0x9c: {  	[tilespmem:$0x1FD80] =	vst v29;
	v55 =	vadd.s32 s9, v3;
	v18 =	vcvt.s32.f32 v36;
	v43 =	vadd.s32 s16, v3  }
0x9d: {  	s18 =	sadd.s32 $0xFFFFFDD0, s9;
	[tilespmem:$0x1FE50] =	vst v40;
	v40 =	vadd.s32 s14, v4;
	v41 =	vadd.s32 s10, v3;
	v21 =	vadd.s32 v54, v61  }
0x9e: {  	v61 =	vor.u32 s18, v1;
	[tilespmem:$0x1FEC0] =	vst v43;
	v47 =	vtrunc.f32 v47;
	v38 =	vtrunc.f32 v38  }
0x9f: {  	v43 =	vadd.s32 s10, v1;
	v17 =	vadd.s32 $0x1, v21;
	v21 =	vadd.s32 v23, v24;
	[tilespmem:$0x1FDD0] =	vst v61  }
0xa0: {  	v18 =	vadd.f32 $5.000000000e-01, v18;
	v61 =	vadd.s32 s16, v0;
	[tilespmem:v8+s7+$0x0] =	vst.idx.msk $0xffff, v48;
	v48 =	vcvt.s32.f32 v28  }
0xa1: {  	v8 =	vadd.f32 $5.000000000e-01, v60;
	v60 =	vmul.f32 $1.000000050e-03, v39;
	v39 =	vmul.f32 $9.999999740e-05, v39;
	[tilespmem:v62+s7+$0x0] =	vst.idx.msk $0xffff, v17  }
0xa2: {  	s15 =	sadd.s32 $0xFFFFFEC0, s9;
	v30 =	vld [tilespmem:s13+$0x20];
	v17 =	vadd.s32 $0x1, v21;
	v21 =	vcvt.s32.f32 v29;
	v62 =	vor.u32 s18, v2;
	[tilespmem:v34+s7+$0x0] =	vst.idx.msk $0xffff, v45  }
0xa3: {  	v34 =	vmul.f32 $1.000000050e-03, v25;
	[tilespmem:$0x1FE70] =	vst v61;
	v45 =	vadd.s32 s15, v0;
	v24 =	vmul.f32 $1.000000050e-03, v18  }
0xa4: {  	v29 =	vadd.s32 s15, v2;
	[tilespmem:v35+s7+$0x0] =	vst.idx.msk $0xffff, v46;
	v35 =	vcvt.f32.s32 v47;
	v20 =	vtrunc.f32 v60  }
0xa5: {  	v28 =	vadd.s32 s15, v3;
	[tilespmem:v63+s7+$0x0] =	vst.idx.msk $0xffff, v17;
	v16 =	vmul.f32 $1.000000010e-01, v8;
	v15 =	vmul.f32 $1.000000050e-03, v8  }
0xa6: {  	[tilespmem:$0x1FDE0] =	vst v62;
	v63 =	vor.u32 s18, v3;
	v37 =	vmul.f32 $9.999999740e-05, v8;
	v19 =	vcvt.f32.s32 v20  }
0xa7: {  	v21 =	vadd.f32 $5.000000000e-01, v21;
	[tilespmem:v6+s7+$0x0] =	vst.idx.msk $0xffff, v10;
	v20 =	vtrunc.f32 v39;
	v39 =	vmul.f32 $9.999999770e-03, v22  }
0xa8: {  	v10 =	vadd.s32 s15, v4;
	[tilespmem:v9+s7+$0x0] =	vst.idx.msk $0xffff, v12;
	v61 =	vtrunc.f32 v24;
	v9 =	vtrunc.f32 v33  }
0xa9: {  	v62 =	vadd.s32 s16, v1;
	[tilespmem:$0x1FE10] =	vst v10;
	v10 =	vtrunc.f32 v34;
	v12 =	vcvt.f32.s32 v38  }
0xaa: {  	v46 =	vadd.s32 s15, v1;
	v20 =	vcvt.f32.s32 v20;
	v51 =	vmul.f32 $1.000000010e-01, v21  }
0xab: {  	[tilespmem:$0x1FE00] =	vst v63;
	v63 =	vadd.s32 s16, v2;
	v52 =	vmul.f32 $9.999999770e-03, v21;
	v53 =	vmul.f32 $1.000000050e-03, v21  }
0xac: {  	v60 =	vor.u32 s18, v0;
	[tilespmem:$0x1FEB0] =	vst v63;
	v54 =	vmul.f32 $9.999999740e-05, v21;
	v63 =	vtrunc.f32 v16  }
0xad: {  	[tilespmem:$0x1FDC0] =	vst v60;
	v60 =	vadd.s32 s17, v4;
	v6 =	vtrunc.f32 v15;
	v37 =	vtrunc.f32 v37  }
0xae: {  	[tilespmem:v7+s7+$0x0] =	vst.idx.msk $0xffff, v11;
	v7 =	vtrunc.f32 v14;
	v11 =	vadd.s32 s14, v0;
	v61 =	vcvt.f32.s32 v61  }
0xaf: {  	v0 =	vadd.s32 s10, v0;
	v9 =	vcvt.f32.s32 v9;
	v10 =	vcvt.f32.s32 v10  }
0xb0: {  	v16 =	vmul.u32 $0xFFFFFFF6, v35;
	v56 =	vmul.u32 $0xFFFFFFF6, v19;
	v39 =	vtrunc.f32 v39  }
0xb1: {  	[tilespmem:$0x1FDF0] =	vst v11;
	v11 =	vadd.s32 s14, v3;
	v63 =	vcvt.f32.s32 v63;
	v6 =	vcvt.f32.s32 v6  }
0xb2: {  	v34 =	vcvt.f32.s32 v37;
	v7 =	vcvt.f32.s32 v7;
	v23 =	vmul.u32 $0xFFFFFFF6, v20  }
0xb3: {  	v59 =	vadd.s32 $0x1, v20;
	v20 =	vmul.f32 $1.000000010e-01, v18;
	v51 =	vtrunc.f32 v51  }
0xb4: {  	[tilespmem:$0x1FE20] =	vst v0;
	v0 =	vmul.u32 $0xFFFFFFF6, v12;
	v52 =	vtrunc.f32 v52;
	v53 =	vtrunc.f32 v53  }
0xb5: {  	[tilespmem:$0x1FDB0] =	vst v46;
	v54 =	vtrunc.f32 v54;
	v46 =	vmul.u32 $0xFFFFFFF6, v61;
	v1 =	vmul.u32 $0xFFFFFFF6, v10  }
0xb6: {  	v5 =	vadd.s32 v56, v32;
	v32 =	vor.u32 s18, v4;
	v51 =	vcvt.f32.s32 v51  }
0xb7: {  	[tilespmem:$0x1FE80] =	vst v11;
	v11 =	vmul.u32 $0xFFFFFFF6, v63;
	v52 =	vcvt.f32.s32 v52;
	v53 =	vcvt.f32.s32 v53  }
0xb8: {  	v17 =	vadd.s32 v23, v19;
	v19 =	vcvt.s32.f32 v30;
	v23 =	vmul.f32 $9.999999770e-03, v18  }
0xb9: {  	[tilespmem:$0x1FDA0] =	vst v30;
	v5 =	vadd.s32 $0x1, v5;
	v18 =	vmul.f32 $9.999999740e-05, v18;
	v30 =	vcvt.f32.s32 v39  }
0xba: {  	v39 =	vcvt.f32.s32 v54;
	[tilespmem:v26+s7+$0x0] =	vst.idx.msk $0xffff, v5;
	v58 =	vadd.s32 $0x1, v17;
	v26 =	vmul.f32 $9.999999770e-03, v8  }
0xbb: {  	[tilespmem:$0x1FEA0] =	vst v62;
	v17 =	vadd.f32 $5.000000000e-01, v48;
	v48 =	vmul.f32 $9.999999740e-05, v25;
	v8 =	vtrunc.f32 v13  }
0xbc: {  	v14 =	vmul.u32 $0xFFFFFFF6, v34;
	[tilespmem:$0x1FE90] =	vst v32;
	v32 =	vtrunc.f32 v23;
	v62 =	vtrunc.f32 v18  }
0xbd: {  	v0 =	vadd.s32 v0, v9;
	v8 =	vcvt.f32.s32 v8;
	v42 =	vmul.f32 $1.000000010e-01, v17  }
0xbe: {  	v1 =	vadd.s32 v1, v12;
	v49 =	vmul.f32 $9.999999770e-03, v17;
	v50 =	vmul.f32 $1.000000050e-03, v17  }
0xbf: {  	v19 =	vadd.f32 $5.000000000e-01, v19;
	v17 =	vmul.f32 $9.999999740e-05, v17;
	v5 =	vtrunc.f32 v26  }
0xc0: {  	[tilespmem:$0x1FE40] =	vst v60;
	v21 =	vmul.u32 $0xFFFFFFF6, v53;
	v48 =	vtrunc.f32 v48;
	v60 =	vcvt.f32.s32 v32  }
0xc1: {  	[tilespmem:v55+s7+$0x0] =	vst.idx.msk $0xffff, v58;
	v15 =	vmul.u32 $0xFFFFFFF6, v30;
	v33 =	vcvt.f32.s32 v62;
	v55 =	vmul.f32 $1.000000010e-01, v19  }
0xc2: {  	[tilespmem:v57+s7+$0x0] =	vst.idx.msk $0xffff, v59;
	v59 =	vadd.s32 s17, v3;
	v56 =	vmul.f32 $9.999999770e-03, v19;
	v57 =	vmul.f32 $1.000000050e-03, v19  }
0xc3: {  	v22 =	vmul.u32 $0xFFFFFFF6, v39;
	[tilespmem:$0x1FD50] =	vst v59;
	v58 =	vmul.f32 $9.999999740e-05, v19;
	v59 =	vtrunc.f32 v20  }
0xc4: {  	v26 =	vadd.s32 s14, v2;
	v5 =	vcvt.f32.s32 v5;
	v37 =	vcvt.f32.s32 v48  }
0xc5: {  	[tilespmem:$0x1FED0] =	vst v44;
	v48 =	vmul.u32 $0xFFFFFFF6, v6;
	v54 =	vmul.u32 $0xFFFFFFF6, v8;
	v44 =	vtrunc.f32 v17  }
0xc6: {  	v19 =	vmul.u32 $0xFFFFFFF6, v51;
	v50 =	vtrunc.f32 v50;
	v38 =	vcvt.f32.s32 v44  }
0xc7: {  	v6 =	vadd.s32 v14, v6;
	v55 =	vtrunc.f32 v55;
	v58 =	vtrunc.f32 v58  }
0xc8: {  	v12 =	vld [tilespmem:$0x1FD80];
	v50 =	vcvt.f32.s32 v50;
	v2 =	vmul.u32 $0xFFFFFFF6, v37;
	v18 =	vmul.u32 $0xFFFFFFF6, v38  }
0xc9: {  	v55 =	vcvt.f32.s32 v55;
	v47 =	vcvt.f32.s32 v58;
	v58 =	vmul.u32 $0xFFFFFFF6, v9;
	v9 =	vld [tilespmem:$0x1FD70]  }
0xca: {  	v42 =	vtrunc.f32 v42;
	v2 =	vadd.s32 v2, v10;
	v10 =	vadd.s32 v18, v50;
	v18 =	vld [tilespmem:$0x1FDA0]  }
0xcb: {  	v49 =	vtrunc.f32 v49;
	v42 =	vcvt.f32.s32 v42;
	v23 =	vmul.u32 $0xFFFFFFF6, v55  }
0xcc: {  	v8 =	vadd.s32 v16, v8;
	v59 =	vcvt.f32.s32 v59;
	v49 =	vcvt.f32.s32 v49  }
0xcd: {  	[tilespmem:$0x1FD90] =	vst v45;
	v45 =	vmul.u32 $0xFFFFFFF6, v60;
	v3 =	vmul.u32 $0xFFFFFFF6, v42;
	v17 =	vmul.u32 $0xFFFFFFF6, v50  }
0xce: {  	v32 =	vmul.u32 $0xFFFFFFF6, v33;
	v12 =	vadd.s32 v19, v12;
	v19 =	vld [tilespmem:$0x1FDC0];
	v4 =	vmul.u32 $0xFFFFFFF6, v49  }
0xcf: {  	v3 =	vadd.s32 v3, v9;
	v9 =	vadd.s32 v17, v49;
	v49 =	vadd.s32 v23, v18;
	v23 =	vmovc v27;
	v27 =	vld [tilespmem:$0x1FDD0]  }
0xd0: {  	v14 =	vld [tilespmem:$0x1FD40];
	v46 =	vadd.s32 v46, v60;
	v56 =	vtrunc.f32 v56;
	v57 =	vtrunc.f32 v57  }
0xd1: {  	v16 =	vld [tilespmem:$0x1FD60];
	v13 =	vmul.u32 $0xFFFFFFF6, v5;
	v44 =	vmul.u32 $0xFFFFFFF6, v7;
	v56 =	vcvt.f32.s32 v56  }
0xd2: {  	v60 =	vld [tilespmem:$0x1FD30];
	v5 =	vadd.s32 v48, v5;
	v7 =	vadd.s32 v15, v7;
	v62 =	vmul.u32 $0xFFFFFFF6, v59  }
0xd3: {  	v15 =	vadd.s32 v54, v30;
	v32 =	vadd.s32 v32, v61;
	v61 =	vld [tilespmem:$0x1FE30];
	v24 =	vmul.u32 $0xFFFFFFF6, v56  }
0xd4: {  	v30 =	vld [tilespmem:$0x1FD50];
	v57 =	vcvt.f32.s32 v57;
	v45 =	vadd.s32 v45, v59;
	v36 =	vadd.s32 v62, v36  }
0xd5: {  	v13 =	vadd.s32 v13, v63;
	v62 =	vld [tilespmem:$0x1FE50];
	v48 =	vadd.s32 v24, v55;
	v55 =	vadd.s32 $0x1, v36  }
0xd6: {  	v63 =	vld [tilespmem:$0x1FE60];
	v59 =	vmul.u32 $0xFFFFFFF6, v47;
	v16 =	vadd.s32 v58, v16;
	v58 =	vadd.s32 $0x1, v45;
	[tilespmem:v19+s7+$0x0] =	vst.idx.msk $0xffff, v55  }
0xd7: {  	v20 =	vmul.u32 $0xFFFFFFF6, v52;
	v5 =	vadd.s32 $0x1, v5;
	v14 =	vadd.s32 v44, v14;
	[tilespmem:v27+s7+$0x0] =	vst.idx.msk $0xffff, v58;
	v27 =	vld [tilespmem:$0x1FDE0]  }
0xd8: {  	v25 =	vmul.u32 $0xFFFFFFF6, v57;
	v50 =	vadd.s32 v21, v52;
	v21 =	vmovc v26;
	v26 =	vmovc v29;
	v29 =	vadd.s32 v59, v57;
	v59 =	vld [tilespmem:$0x1FE00]  }
0xd9: {  	v11 =	vadd.s32 v11, v60;
	v17 =	vadd.s32 v20, v51;
	v51 =	vadd.s32 v22, v53;
	v22 =	vld [tilespmem:$0x1FD90]  }
0xda: {  	s11 =	sadd.s32 $0x8, s11;
	v13 =	vadd.s32 $0x1, v13;
	v11 =	vadd.s32 $0x1, v11;
	v24 =	vmovc v28;
	v28 =	vadd.s32 v25, v56;
	v25 =	vld [tilespmem:$0x1FDB0]  }
0xdb: {  	p0 =	slt.u32 s11, $0x60;
	v4 =	vadd.s32 v4, v42;
	v60 =	vadd.s32 $0x1, v14;
	v36 =	vadd.s32 $0x1, v8;
	[tilespmem:v61+s7+$0x0] =	vst.idx.msk $0xffff, v11;
	v11 =	vld [tilespmem:$0x1FE40]  }
.Ltmp0:
0xdc: {  	v57 =	vadd.s32 $0x1, v0;
	v52 =	vadd.s32 $0x1, v10;
	v18 =	vmovc v40;
	v40 =	vadd.s32 $0x1, v12;
	v12 =	vld [tilespmem:$0x1FE70];
	(pc) =	sbr.rel @p0 .LBB2_2-.Ltmp0, $4  }
0xdd: {  	v20 =	vadd.s32 $0x1, v32;
	v14 =	vmovc v31;
	v31 =	vadd.s32 $0x1, v7;
	[tilespmem:v62+s7+$0x0] =	vst.idx.msk $0xffff, v13;
	v13 =	vmovc v41;
	v41 =	vadd.s32 $0x1, v17;
	v17 =	vld [tilespmem:$0x1FE80]  }
0xde: {  	v53 =	vadd.s32 $0x1, v4;
	v19 =	vadd.s32 $0x1, v46;
	[tilespmem:v63+s7+$0x0] =	vst.idx.msk $0xffff, v5;
	v58 =	vadd.s32 $0x1, v16;
	v16 =	vld [tilespmem:$0x1FE20]  }
0xdf: {  	v56 =	vadd.s32 $0x1, v1;
	v54 =	vadd.s32 $0x1, v3;
	v55 =	vadd.s32 $0x1, v2;
	[tilespmem:v27+s7+$0x0] =	vst.idx.msk $0xffff, v19;
	v19 =	vld [tilespmem:$0x1FDF0]  }
0xe0: {  	s13 =	sadd.s32 $0x80, s13;
	s12 =	sadd.s32 $0xFFFFFFB0, s9;
	v27 =	vadd.s32 $0x1, v6;
	[tilespmem:v59+s7+$0x0] =	vst.idx.msk $0xffff, v20;
	v20 =	vld [tilespmem:$0x1FE10];
	v59 =	vadd.s32 $0x1, v15;
	v15 =	vmovc v43;
	v43 =	vadd.s32 $0x1, v9  }
0xe1: {  	_ =	sdelay $0x3  }
0xe2: {  	[tilespmem:v30+s7+$0x0] =	vst.idx.msk $0xffff, v27  }
0xe3: {  	[tilespmem:v12+s7+$0x0] =	vst.idx.msk $0xffff, v60  }
0xe4: {  	v1 =	vld [tilespmem:$0x1FEA0];
	_ =	sdelay $0x7  }
0xe5: {  	[tilespmem:v1+s7+$0x0] =	vst.idx.msk $0xffff, v31  }
0xe6: {  	v2 =	vld [tilespmem:$0x1FE90];
	_ =	sdelay $0x5  }
0xe7: {  	v44 =	vadd.s32 $0x1, v34  }
0xe8: {  	v0 =	vadd.s32 $0x1, v33;
	[tilespmem:v11+s7+$0x0] =	vst.idx.msk $0xffff, v44  }
0xe9: {  	[tilespmem:v2+s7+$0x0] =	vst.idx.msk $0xffff, v0  }
0xea: {  	v0 =	vld [tilespmem:$0x1FEB0];
	_ =	sdelay $0x7  }
0xeb: {  	[tilespmem:v0+s7+$0x0] =	vst.idx.msk $0xffff, v59  }
0xec: {  	v1 =	vld [tilespmem:$0x1FEC0];
	_ =	sdelay $0x7  }
0xed: {  	[tilespmem:v1+s7+$0x0] =	vst.idx.msk $0xffff, v36  }
0xee: {  	v1 =	vld [tilespmem:$0x1FED0];
	[tilespmem:v22+s7+$0x0] =	vst.idx.msk $0xffff, v58  }
0xef: {  	[tilespmem:v19+s7+$0x0] =	vst.idx.msk $0xffff, v54  }
0xf0: {  	[tilespmem:v25+s7+$0x0] =	vst.idx.msk $0xffff, v57  }
0xf1: {  	[tilespmem:v23+s7+$0x0] =	vst.idx.msk $0xffff, v53  }
0xf2: {  	[tilespmem:v26+s7+$0x0] =	vst.idx.msk $0xffff, v56  }
0xf3: {  	[tilespmem:v21+s7+$0x0] =	vst.idx.msk $0xffff, v43  }
0xf4: {  	[tilespmem:v24+s7+$0x0] =	vst.idx.msk $0xffff, v55  }
0xf5: {  	v46 =	vadd.s32 $0x1, v37;
	[tilespmem:v17+s7+$0x0] =	vst.idx.msk $0xffff, v52  }
0xf6: {  	v45 =	vadd.s32 $0x1, v35;
	[tilespmem:v20+s7+$0x0] =	vst.idx.msk $0xffff, v46  }
0xf7: {  	v55 =	vadd.s32 $0x1, v38;
	[tilespmem:v1+s7+$0x0] =	vst.idx.msk $0xffff, v45  }
0xf8: {  	v7 =	vld [tilespmem:$0x1FFF0];
	[tilespmem:v18+s7+$0x0] =	vst.idx.msk $0xffff, v55  }
0xf9: {  	v0 =	vld [tilespmem:$0x1FFE0];
	[tilespmem:v16+s7+$0x0] =	vst.idx.msk $0xffff, v40  }
0xfa: {  	v57 =	vadd.s32 $0x1, v50;
	v3 =	vld [tilespmem:$0x1FFB0];
	[tilespmem:v15+s7+$0x0] =	vst.idx.msk $0xffff, v41  }
0xfb: {  	v5 =	vld [tilespmem:$0x1FFC0];
	[tilespmem:v14+s7+$0x0] =	vst.idx.msk $0xffff, v57  }
0xfc: {  	v6 =	vld [tilespmem:$0x1FFD0]  }
0xfd: {  	v56 =	vadd.s32 s10, v7  }
0xfe: {  	v0 =	vadd.s32 s12, v0  }
0xff: {  	v3 =	vadd.s32 s12, v3  }
0x100: {  	v4 =	vadd.s32 $0x1, v51;
	v5 =	vadd.s32 s12, v5  }
0x101: {  	v58 =	vadd.s32 $0x1, v39;
	[tilespmem:v13+s7+$0x0] =	vst.idx.msk $0xffff, v4;
	v6 =	vadd.s32 s12, v6  }
0x102: {  	v59 =	vadd.s32 $0x1, v49;
	v7 =	vadd.s32 s12, v7;
	[tilespmem:v56+s7+$0x0] =	vst.idx.msk $0xffff, v58  }
0x103: {  	v60 =	vadd.s32 $0x1, v48;
	[tilespmem:v0+s7+$0x0] =	vst.idx.msk $0xffff, v59  }
0x104: {  	v61 =	vadd.s32 $0x1, v28;
	[tilespmem:v3+s7+$0x0] =	vst.idx.msk $0xffff, v60  }
0x105: {  	v62 =	vadd.s32 $0x1, v29;
	s8 =	sadd.s32 $0x1, s8;
	[tilespmem:v5+s7+$0x0] =	vst.idx.msk $0xffff, v61  }
0x106: {  	v63 =	vadd.s32 $0x1, v47;
	p0 =	sne.s32 s8, s5;
	[tilespmem:v6+s7+$0x0] =	vst.idx.msk $0xffff, v62  }
.Ltmp1:
0x107: {  	[tilespmem:v7+s7+$0x0] =	vst.idx.msk $0xffff, v63;
	(pc) =	sbr.rel @p0 .LBB2_1-.Ltmp1, $4  }
0x108: {  	[hbm4b:s4+s2] =	stream.linear.scatter [tilespmem:s7], [sflag:$0x1], $0x2080, $0x38;
	[tilespmem:$0x2700] =	vst v63  }
0x109: {  	_ =	swait.ge [sflag:s6], $0x2080  }
0x10a: {  	[sflag:s6] =	ssyncset.done $0x0  }
0x10b: {  	[sflag:s6] =	ssyncadd.s32 $0xFFFFDF80  }
0x10c: {  	_ =	sfence.sel $0x180000  }
0x10d: {  	[bflag:$0x0] =	sbarrier.arrive $0xFFFF  }
0x10e: {  	p0 =	sne.s32 s0, $0x0;
	_ =	strace $0x90000047  }
0x10f: {  	s0 =	sadd.s32 @!p0 $0x100000, s1;
	[bflag:$0x2] =	sbarrier.arrive $0xFFFF  }
0x110: {  	[sflag:s0] =	ssyncadd.tile.s32 @!p0 $0x1;
	_ =	shalt  }
.Lfunc_end2:
_tile_overlayer_lowered:
.L_overlay_start_2:
0x111: {  	(tag) =	ssettag $0x2  }
0x112: {  	s0 =	rddreg [dreg:$0x0];
	s2 =	stileid.u32  }
0x113: {  	s1 =	rddreg [dreg:$0x1];
	p0 =	sne.s32 s2, $0x0  }
0x114: {  	s3 =	rddreg [dreg:$0x2];
	[bflag:$0x3] =	sbarrier.arrive $0xFFFF;
	s2 =	simm.s32 @!p0 $0x1C01  }
0x115: {  	[timem:s3], [sflag:s2] =	dma.local @!p0 [hbm:s0], s1  }
0x116: {  	s0 =	simm.s32 @!p0 $0x1  }
0x117: {  	_ =	swait.ge @!p0 [sflag:s0], s1  }
0x118: {  	s1 =	ssub.s32 @!p0 $0x0, s1;
	[sflag:s0] =	ssyncset.done @!p0 $0x0  }
0x119: {  	[sflag:s0] =	ssyncadd.s32 @!p0 s1  }
0x11a: {  	[bflag:$0x3] =	sbarrier.arrive $0xFFFF  }
0x11b: {  	_ =	shalt  }

</sc_bundles>
